<compile_context>
chip_gen: v7x
topology: tpu7x:2x2x1
jax: 0.10.2.dev20260603
libtpu: 0.0.44.dev20260713+nightly
codegen_flags: <defaults>
</compile_context>

<pallas_src>
import functools

import jax
import jax.numpy as jnp
from jax import lax
from jax.experimental import pallas as pl
from jax.experimental.pallas import tpu as pltpu
from jax.experimental.pallas import tpu_sc as plsc

BATCH = 16384
HIST = 50
D = 32
VOCAB1 = 100001
NC = 2
NS = 16
NW = NC * NS
BCHUNK = 128
NCHT = BATCH // BCHUNK
L = 16
NSL = BCHUNK // L
UNROLL = 8

_MESH = plsc.VectorSubcoreMesh(core_axis_name="c", subcore_axis_name="s")


@functools.partial(
    pl.kernel,
    mesh=_MESH,
    out_type=jax.ShapeDtypeStruct((HIST, D, BATCH), jnp.float32),
    scratch_types=[
        pltpu.VMEM((VOCAB1,), jnp.float32),
        pltpu.VMEM((HIST, BCHUNK), jnp.int32),
        pltpu.VMEM((HIST, BCHUNK), jnp.int32),
        pltpu.VMEM((HIST, BCHUNK), jnp.float32),
        pltpu.VMEM((HIST, BCHUNK), jnp.float32),
        pltpu.SemaphoreType.DMA,
        pltpu.SemaphoreType.DMA,
        pltpu.SemaphoreType.DMA,
        pltpu.SemaphoreType.DMA,
    ],
    compiler_params=pltpu.CompilerParams(needs_layout_passes=False),
)
def _gather_kernel(ids_hbm, table_hbm, out_hbm, plane_v,
                   idx_a, idx_b, row_a, row_b, isem_a, isem_b, osem_a, osem_b):
    wid = lax.axis_index("s") * NC + lax.axis_index("c")

    pltpu.sync_copy(table_hbm.at[wid], plane_v)

    def start_idx(t, idx_v, isem):
        b0 = t * BCHUNK
        pltpu.async_copy(ids_hbm.at[pl.ds(0, HIST), pl.ds(b0, BCHUNK)], idx_v, isem)

    def wait_idx(idx_v, isem):
        pltpu.make_async_copy(ids_hbm.at[pl.ds(0, HIST), pl.ds(0, BCHUNK)], idx_v, isem).wait()

    def start_out(t, row_v, osem):
        b0 = t * BCHUNK
        pltpu.async_copy(row_v, out_hbm.at[pl.ds(0, HIST), wid, pl.ds(b0, BCHUNK)], osem)

    def wait_out(row_v, osem):
        pltpu.make_async_copy(row_v, out_hbm.at[pl.ds(0, HIST), wid, pl.ds(0, BCHUNK)], osem).wait()

    def gather(idx_v, row_v):
        @plsc.parallel_loop(0, HIST * NSL, unroll=UNROLL)
        def body(j):
            hh = j // NSL
            base = (j % NSL) * L
            idx16 = idx_v[hh, pl.ds(base, L)]
            row_v[hh, pl.ds(base, L)] = plsc.load_gather(plane_v, [idx16])

    start_idx(0, idx_a, isem_a)
    start_idx(1, idx_b, isem_b)

    def pair_body(i2, carry):
        t = i2 * 2
        wait_idx(idx_a, isem_a)

        @pl.when(t >= 2)
        def _():
            wait_out(row_a, osem_a)

        gather(idx_a, row_a)
        start_out(t, row_a, osem_a)

        @pl.when(t + 2 < NCHT)
        def _():
            start_idx(t + 2, idx_a, isem_a)

        wait_idx(idx_b, isem_b)

        @pl.when(t >= 2)
        def _():
            wait_out(row_b, osem_b)

        gather(idx_b, row_b)
        start_out(t + 1, row_b, osem_b)

        @pl.when(t + 3 < NCHT)
        def _():
            start_idx(t + 3, idx_b, isem_b)

        return carry

    lax.fori_loop(0, NCHT // 2, pair_body, 0)
    wait_out(row_a, osem_a)
    wait_out(row_b, osem_b)


def kernel(merchant_ids, embedding_table):
    ids_t = merchant_ids.T.astype(jnp.int32)
    table_t = embedding_table.T
    out_t = _gather_kernel(ids_t, table_t)
    return out_t.transpose(2, 0, 1)

# --- scband reference (transcript-rebuilt; emitter-appended) ---
"""Pipeline reference for scband-candidate-model-90726889160719 (READ-ONLY COPY).

The authoritative reference and input builder live on the scoring server;
editing this copy changes nothing except your own understanding.
"""

import jax, jax.numpy as jnp
import numpy as np

VOCAB = 100000
EMBED_DIM = 32
BATCH = 16384
HIST_LEN = 50

def setup_inputs(seed: int = 0) -> dict:
    key = jax.random.key(seed)
    k_idx, k_tab = jax.random.split(key)
    # StringLookup maps strings to int ids in [0, VOCAB+1): index 0 is OOV,
    # indices 1..VOCAB are vocabulary tokens. We model post-lookup ids directly.
    merchant_ids = jax.random.randint(k_idx, (BATCH, HIST_LEN), 0, VOCAB + 1, dtype=jnp.int64)
    # Embedding table sized len(vocab)+1 to match tf.keras.layers.Embedding(VOCAB+1, EMBED_DIM)
    embedding_table = jax.random.normal(k_tab, (VOCAB + 1, EMBED_DIM), dtype=jnp.float32) * 0.05
    return {"merchant_ids": merchant_ids, "embedding_table": embedding_table}

def reference(merchant_ids, embedding_table):
    # StringLookup -> integer ids (already done in setup), then Embedding gather
    out = jnp.take(embedding_table, merchant_ids, axis=0)
    return out

if __name__ == "__main__":
    import jax
    _d = setup_inputs()
    print(jax.jit(kernel)(*tuple(_d.values())))

</pallas_src>

<mosaic_0001>
#map = affine_map<(d0, d1) -> (0, 0)>
#map1 = affine_map<(d0, d1) -> (0, 0, 0)>
module attributes {stable_mosaic.version = 14 : i64} {
  func.func @_gather_kernel(%arg0: i32, %arg1: i32, %arg2: memref<50x16384xi32, #tpu.memory_space<hbm>>, %arg3: memref<32x100001xf32, #tpu.memory_space<hbm>>, %arg4: memref<50x32x16384xf32, #tpu.memory_space<hbm>>, %arg5: memref<100001xf32, #tpu.memory_space<vmem>>, %arg6: memref<50x128xi32, #tpu.memory_space<vmem>>, %arg7: memref<50x128xi32, #tpu.memory_space<vmem>>, %arg8: memref<50x128xf32, #tpu.memory_space<vmem>>, %arg9: memref<50x128xf32, #tpu.memory_space<vmem>>, %arg10: memref<!tpu.dma_semaphore, #tpu.memory_space<semaphore_mem>>, %arg11: memref<!tpu.dma_semaphore, #tpu.memory_space<semaphore_mem>>, %arg12: memref<!tpu.dma_semaphore, #tpu.memory_space<semaphore_mem>>, %arg13: memref<!tpu.dma_semaphore, #tpu.memory_space<semaphore_mem>>) attributes {dimension_semantics = [#tpu.dimension_semantics<core_parallel>, #tpu.dimension_semantics<subcore_parallel>], iteration_bounds = array<i64: 2, 16>, scalar_prefetch = 0 : i64, scratch_operands = 9 : i64, tpu.core_type = #tpu.core_type<sc_vector_subcore>, window_params = [{transform_indices = #map}, {transform_indices = #map}, {transform_indices = #map1}]} {
    %mul3A = arith.constant 2 : i32
    %mul3A_0 = arith.muli %arg1, %mul3A : i32
    %add3A = arith.addi %mul3A_0, %arg0 : i32
    "tpu.region"() ({
      %run_scoped3A = tpu.sem_alloc : memref<!tpu.dma_semaphore, #tpu.memory_space<semaphore_mem>>
      %dma_start3A_32 = arith.constant 0 : i32
      %dma_start3A_33 = tpu.memref_slice %arg3[%add3A, %dma_start3A_32] : memref<32x100001xf32, #tpu.memory_space<hbm>> -> memref<1x100001xf32, #tpu.memory_space<hbm>>
      %dma_start3A_34 = tpu.memref_squeeze %dma_start3A_33 : memref<1x100001xf32, #tpu.memory_space<hbm>> -> memref<100001xf32, #tpu.memory_space<hbm>>
      %dma_start3A_35 = arith.constant 0 : i32
      %dma_start3A_36 = tpu.memref_slice %arg3[%add3A, %dma_start3A_35] : memref<32x100001xf32, #tpu.memory_space<hbm>> -> memref<1x100001xf32, #tpu.memory_space<hbm>>
      %dma_start3A_37 = tpu.memref_squeeze %dma_start3A_36 : memref<1x100001xf32, #tpu.memory_space<hbm>> -> memref<100001xf32, #tpu.memory_space<hbm>>
      tpu.enqueue_dma source(%dma_start3A_37 : memref<100001xf32, #tpu.memory_space<hbm>>) target(%arg5 : memref<100001xf32, #tpu.memory_space<vmem>>) target_semaphore(%run_scoped3A : memref<!tpu.dma_semaphore, #tpu.memory_space<semaphore_mem>>)
      %dma_wait3A_38 = arith.constant 0 : i32
      %dma_wait3A_39 = tpu.memref_slice %arg3[%add3A, %dma_wait3A_38] : memref<32x100001xf32, #tpu.memory_space<hbm>> -> memref<1x100001xf32, #tpu.memory_space<hbm>>
      %dma_wait3A_40 = tpu.memref_squeeze %dma_wait3A_39 : memref<1x100001xf32, #tpu.memory_space<hbm>> -> memref<100001xf32, #tpu.memory_space<hbm>>
      %dma_wait3A_41 = arith.constant 0 : i32
      %dma_wait3A_42 = tpu.memref_slice %arg3[%add3A, %dma_wait3A_41] : memref<32x100001xf32, #tpu.memory_space<hbm>> -> memref<1x100001xf32, #tpu.memory_space<hbm>>
      %dma_wait3A_43 = tpu.memref_squeeze %dma_wait3A_42 : memref<1x100001xf32, #tpu.memory_space<hbm>> -> memref<100001xf32, #tpu.memory_space<hbm>>
      tpu.wait_dma2 semaphore(%run_scoped3A : memref<!tpu.dma_semaphore, #tpu.memory_space<semaphore_mem>>) src(%dma_wait3A_43 : memref<100001xf32, #tpu.memory_space<hbm>>) dst(%arg5 : memref<100001xf32, #tpu.memory_space<vmem>>)
      tpu.yield
    }) : () -> ()
    %dma_start3A = arith.constant 0 : i32
    %dma_start3A_1 = arith.constant 0 : i32
    %dma_start3A_2 = tpu.memref_slice %arg2[%dma_start3A, %dma_start3A_1] : memref<50x16384xi32, #tpu.memory_space<hbm>> -> memref<50x128xi32, #tpu.memory_space<hbm>>
    %dma_start3A_3 = arith.constant 0 : i32
    %dma_start3A_4 = arith.constant 0 : i32
    %dma_start3A_5 = tpu.memref_slice %arg2[%dma_start3A_3, %dma_start3A_4] : memref<50x16384xi32, #tpu.memory_space<hbm>> -> memref<50x128xi32, #tpu.memory_space<hbm>>
    tpu.enqueue_dma source(%dma_start3A_5 : memref<50x128xi32, #tpu.memory_space<hbm>>) target(%arg6 : memref<50x128xi32, #tpu.memory_space<vmem>>) target_semaphore(%arg10 : memref<!tpu.dma_semaphore, #tpu.memory_space<semaphore_mem>>)
    %dma_start3A_6 = arith.constant 0 : i32
    %dma_start3A_7 = arith.constant 128 : i32
    %dma_start3A_8 = tpu.memref_slice %arg2[%dma_start3A_6, %dma_start3A_7] : memref<50x16384xi32, #tpu.memory_space<hbm>> -> memref<50x128xi32, #tpu.memory_space<hbm>>
    %dma_start3A_9 = arith.constant 0 : i32
    %dma_start3A_10 = arith.constant 128 : i32
    %dma_start3A_11 = tpu.memref_slice %arg2[%dma_start3A_9, %dma_start3A_10] : memref<50x16384xi32, #tpu.memory_space<hbm>> -> memref<50x128xi32, #tpu.memory_space<hbm>>
    tpu.enqueue_dma source(%dma_start3A_11 : memref<50x128xi32, #tpu.memory_space<hbm>>) target(%arg7 : memref<50x128xi32, #tpu.memory_space<vmem>>) target_semaphore(%arg11 : memref<!tpu.dma_semaphore, #tpu.memory_space<semaphore_mem>>)
    %scan3A = arith.constant 0 : i32
    %scan3A_12 = arith.constant 0 : i32
    %scan3A_13 = arith.constant 64 : i32
    %scan3A_14 = arith.addi %scan3A_12, %scan3A_13 : i32
    %scan3A_15 = arith.constant 1 : i32
    scf.for %scan3A_32 = %scan3A_12 to %scan3A_14 step %scan3A_15  : i32 {
      %mul3A_33 = arith.constant 2 : i32
      %mul3A_34 = arith.muli %scan3A_32, %mul3A_33 : i32
      %dma_wait3A_35 = arith.constant 0 : i32
      %dma_wait3A_36 = arith.constant 0 : i32
      %dma_wait3A_37 = tpu.memref_slice %arg2[%dma_wait3A_35, %dma_wait3A_36] : memref<50x16384xi32, #tpu.memory_space<hbm>> -> memref<50x128xi32, #tpu.memory_space<hbm>>
      %dma_wait3A_38 = arith.constant 0 : i32
      %dma_wait3A_39 = arith.constant 0 : i32
      %dma_wait3A_40 = tpu.memref_slice %arg2[%dma_wait3A_38, %dma_wait3A_39] : memref<50x16384xi32, #tpu.memory_space<hbm>> -> memref<50x128xi32, #tpu.memory_space<hbm>>
      tpu.wait_dma2 semaphore(%arg10 : memref<!tpu.dma_semaphore, #tpu.memory_space<semaphore_mem>>) src(%dma_wait3A_40 : memref<50x128xi32, #tpu.memory_space<hbm>>) dst(%arg6 : memref<50x128xi32, #tpu.memory_space<vmem>>)
      %ge3A = arith.constant 2 : i32
      %ge3A_41 = arith.cmpi sge, %mul3A_34, %ge3A : i32
      %convert_element_type3A = arith.extui %ge3A_41 : i1 to i32
      %cond3A = arith.constant 0 : i32
      %cond3A_42 = arith.cmpi ne, %convert_element_type3A, %cond3A : i32
      scf.if %cond3A_42 {
        %dma_wait3A_90 = arith.constant 0 : i32
        %dma_wait3A_91 = arith.constant 0 : i32
        %dma_wait3A_92 = tpu.memref_slice %arg4[%dma_wait3A_90, %add3A, %dma_wait3A_91] : memref<50x32x16384xf32, #tpu.memory_space<hbm>> -> memref<50x1x128xf32, #tpu.memory_space<hbm>>
        %dma_wait3A_93 = tpu.memref_squeeze %dma_wait3A_92 : memref<50x1x128xf32, #tpu.memory_space<hbm>> -> memref<50x128xf32, #tpu.memory_space<hbm>>
        %dma_wait3A_94 = arith.constant 0 : i32
        %dma_wait3A_95 = arith.constant 0 : i32
        %dma_wait3A_96 = tpu.memref_slice %arg4[%dma_wait3A_94, %add3A, %dma_wait3A_95] : memref<50x32x16384xf32, #tpu.memory_space<hbm>> -> memref<50x1x128xf32, #tpu.memory_space<hbm>>
        %dma_wait3A_97 = tpu.memref_squeeze %dma_wait3A_96 : memref<50x1x128xf32, #tpu.memory_space<hbm>> -> memref<50x128xf32, #tpu.memory_space<hbm>>
        tpu.wait_dma2 semaphore(%arg12 : memref<!tpu.dma_semaphore, #tpu.memory_space<semaphore_mem>>) src(%arg8 : memref<50x128xf32, #tpu.memory_space<vmem>>) dst(%dma_wait3A_97 : memref<50x128xf32, #tpu.memory_space<hbm>>)
      } else {
      }
      %parallel_loop3A = arith.constant 0 : i32
      %parallel_loop3A_43 = arith.constant 400 : i32
      %parallel_loop3A_44 = arith.constant 1 : i32
      scf.for %parallel_loop3A_90 = %parallel_loop3A to %parallel_loop3A_43 step %parallel_loop3A_44  : i32 {
        %parallel_loop3A_91 = arith.constant 8 : i32
        %parallel_loop3A_92 = arith.divsi %parallel_loop3A_90, %parallel_loop3A_91 : i32
        %parallel_loop3A_93 = arith.constant 0 : i32
        %parallel_loop3A_94 = arith.cmpi sgt, %parallel_loop3A_90, %parallel_loop3A_93 : i32
        %parallel_loop3A_95 = arith.extui %parallel_loop3A_94 : i1 to i32
        %parallel_loop3A_96 = arith.constant 0 : i32
        %parallel_loop3A_97 = arith.cmpi slt, %parallel_loop3A_90, %parallel_loop3A_96 : i32
        %parallel_loop3A_98 = arith.extui %parallel_loop3A_97 : i1 to i32
        %parallel_loop3A_99 = arith.subi %parallel_loop3A_95, %parallel_loop3A_98 : i32
        %parallel_loop3A_100 = arith.constant 0 : i32
        %parallel_loop3A_101 = arith.cmpi sgt, %parallel_loop3A_91, %parallel_loop3A_100 : i32
        %parallel_loop3A_102 = arith.extui %parallel_loop3A_101 : i1 to i32
        %parallel_loop3A_103 = arith.constant 0 : i32
        %parallel_loop3A_104 = arith.cmpi slt, %parallel_loop3A_91, %parallel_loop3A_103 : i32
        %parallel_loop3A_105 = arith.extui %parallel_loop3A_104 : i1 to i32
        %parallel_loop3A_106 = arith.subi %parallel_loop3A_102, %parallel_loop3A_105 : i32
        %parallel_loop3A_107 = arith.cmpi ne, %parallel_loop3A_99, %parallel_loop3A_106 : i32
        %parallel_loop3A_108 = arith.remsi %parallel_loop3A_90, %parallel_loop3A_91 : i32
        %parallel_loop3A_109 = arith.constant 0 : i32
        %parallel_loop3A_110 = arith.cmpi ne, %parallel_loop3A_108, %parallel_loop3A_109 : i32
        %parallel_loop3A_111 = arith.andi %parallel_loop3A_107, %parallel_loop3A_110 : i1
        %parallel_loop3A_112 = arith.constant 1 : i32
        %parallel_loop3A_113 = arith.subi %parallel_loop3A_92, %parallel_loop3A_112 : i32
        %parallel_loop3A_114 = arith.select %parallel_loop3A_111, %parallel_loop3A_113, %parallel_loop3A_92 : i32
        %parallel_loop3A_115 = arith.constant 8 : i32
        %parallel_loop3A_116 = arith.constant 0 : i32
        %parallel_loop3A_117 = arith.cmpi eq, %parallel_loop3A_115, %parallel_loop3A_116 : i32
        %parallel_loop3A_118 = arith.constant 1 : i32
        %parallel_loop3A_119 = arith.select %parallel_loop3A_117, %parallel_loop3A_118, %parallel_loop3A_115 : i32
        %parallel_loop3A_120 = arith.remsi %parallel_loop3A_90, %parallel_loop3A_119 : i32
        %parallel_loop3A_121 = arith.constant 0 : i32
        %parallel_loop3A_122 = arith.cmpi ne, %parallel_loop3A_120, %parallel_loop3A_121 : i32
        %parallel_loop3A_123 = arith.constant 0 : i32
        %parallel_loop3A_124 = arith.cmpi slt, %parallel_loop3A_120, %parallel_loop3A_123 : i32
        %parallel_loop3A_125 = arith.constant 0 : i32
        %parallel_loop3A_126 = arith.cmpi slt, %parallel_loop3A_119, %parallel_loop3A_125 : i32
        %parallel_loop3A_127 = arith.xori %parallel_loop3A_124, %parallel_loop3A_126 : i1
        %parallel_loop3A_128 = arith.andi %parallel_loop3A_127, %parallel_loop3A_122 : i1
        %parallel_loop3A_129 = arith.addi %parallel_loop3A_120, %parallel_loop3A_119 : i32
        %parallel_loop3A_130 = arith.select %parallel_loop3A_128, %parallel_loop3A_129, %parallel_loop3A_120 : i32
        %parallel_loop3A_131 = arith.constant 16 : i32
        %parallel_loop3A_132 = arith.muli %parallel_loop3A_130, %parallel_loop3A_131 : i32
        %parallel_loop3A_133 = arith.index_cast %parallel_loop3A_114 : i32 to index
        %parallel_loop3A_134 = arith.index_cast %parallel_loop3A_132 : i32 to index
        %parallel_loop3A_135 = tpu.vector_load %arg6[%parallel_loop3A_133, %parallel_loop3A_134] {strides = array<i32>} : memref<50x128xi32, #tpu.memory_space<vmem>>, vector<16xi32>,
        %parallel_loop3A_136 = tpu.vector_load_idx %arg5[%parallel_loop3A_135] : memref<100001xf32, #tpu.memory_space<vmem>>[vector<16xi32>], vector<16xf32>,
        %parallel_loop3A_137 = arith.index_cast %parallel_loop3A_114 : i32 to index
        %parallel_loop3A_138 = arith.index_cast %parallel_loop3A_132 : i32 to index
        %parallel_loop3A_139 = tpu.vector_load %arg8[%parallel_loop3A_137, %parallel_loop3A_138] {strides = array<i32>} : memref<50x128xf32, #tpu.memory_space<vmem>>, vector<16xf32>,
        tpu.vector_store %arg8[%parallel_loop3A_137, %parallel_loop3A_138], %parallel_loop3A_136 {strides = array<i32>} : memref<50x128xf32, #tpu.memory_space<vmem>>, vector<16xf32>,
      } {sc.loop_unroll_factor = 8 : i64, sc.parallel_access}
      %mul3A_45 = arith.constant 128 : i32
      %mul3A_46 = arith.muli %mul3A_34, %mul3A_45 : i32
      %dma_start3A_47 = arith.constant 0 : i32
      %dma_start3A_48 = tpu.memref_slice %arg4[%dma_start3A_47, %add3A, %mul3A_46] : memref<50x32x16384xf32, #tpu.memory_space<hbm>> -> memref<50x1x128xf32, #tpu.memory_space<hbm>>
      %dma_start3A_49 = tpu.memref_squeeze %dma_start3A_48 : memref<50x1x128xf32, #tpu.memory_space<hbm>> -> memref<50x128xf32, #tpu.memory_space<hbm>>
      %dma_start3A_50 = arith.constant 0 : i32
      %dma_start3A_51 = tpu.memref_slice %arg4[%dma_start3A_50, %add3A, %mul3A_46] : memref<50x32x16384xf32, #tpu.memory_space<hbm>> -> memref<50x1x128xf32, #tpu.memory_space<hbm>>
      %dma_start3A_52 = tpu.memref_squeeze %dma_start3A_51 : memref<50x1x128xf32, #tpu.memory_space<hbm>> -> memref<50x128xf32, #tpu.memory_space<hbm>>
      tpu.enqueue_dma source(%arg8 : memref<50x128xf32, #tpu.memory_space<vmem>>) target(%dma_start3A_52 : memref<50x128xf32, #tpu.memory_space<hbm>>) target_semaphore(%arg12 : memref<!tpu.dma_semaphore, #tpu.memory_space<semaphore_mem>>)
      %add3A_53 = arith.constant 2 : i32
      %add3A_54 = arith.addi %mul3A_34, %add3A_53 : i32
      %lt3A = arith.constant 128 : i32
      %lt3A_55 = arith.cmpi slt, %add3A_54, %lt3A : i32
      %convert_element_type3A_56 = arith.extui %lt3A_55 : i1 to i32
      %cond3A_57 = arith.constant 0 : i32
      %cond3A_58 = arith.cmpi ne, %convert_element_type3A_56, %cond3A_57 : i32
      scf.if %cond3A_58 {
        %add3A_90 = arith.constant 2 : i32
        %add3A_91 = arith.addi %mul3A_34, %add3A_90 : i32
        %mul3A_92 = arith.constant 128 : i32
        %mul3A_93 = arith.muli %add3A_91, %mul3A_92 : i32
        %dma_start3A_94 = arith.constant 0 : i32
        %dma_start3A_95 = tpu.memref_slice %arg2[%dma_start3A_94, %mul3A_93] : memref<50x16384xi32, #tpu.memory_space<hbm>> -> memref<50x128xi32, #tpu.memory_space<hbm>>
        %dma_start3A_96 = arith.constant 0 : i32
        %dma_start3A_97 = tpu.memref_slice %arg2[%dma_start3A_96, %mul3A_93] : memref<50x16384xi32, #tpu.memory_space<hbm>> -> memref<50x128xi32, #tpu.memory_space<hbm>>
        tpu.enqueue_dma source(%dma_start3A_97 : memref<50x128xi32, #tpu.memory_space<hbm>>) target(%arg6 : memref<50x128xi32, #tpu.memory_space<vmem>>) target_semaphore(%arg10 : memref<!tpu.dma_semaphore, #tpu.memory_space<semaphore_mem>>)
      } else {
      }
      %dma_wait3A_59 = arith.constant 0 : i32
      %dma_wait3A_60 = arith.constant 0 : i32
      %dma_wait3A_61 = tpu.memref_slice %arg2[%dma_wait3A_59, %dma_wait3A_60] : memref<50x16384xi32, #tpu.memory_space<hbm>> -> memref<50x128xi32, #tpu.memory_space<hbm>>
      %dma_wait3A_62 = arith.constant 0 : i32
      %dma_wait3A_63 = arith.constant 0 : i32
      %dma_wait3A_64 = tpu.memref_slice %arg2[%dma_wait3A_62, %dma_wait3A_63] : memref<50x16384xi32, #tpu.memory_space<hbm>> -> memref<50x128xi32, #tpu.memory_space<hbm>>
      tpu.wait_dma2 semaphore(%arg11 : memref<!tpu.dma_semaphore, #tpu.memory_space<semaphore_mem>>) src(%dma_wait3A_64 : memref<50x128xi32, #tpu.memory_space<hbm>>) dst(%arg7 : memref<50x128xi32, #tpu.memory_space<vmem>>)
      %ge3A_65 = arith.constant 2 : i32
      %ge3A_66 = arith.cmpi sge, %mul3A_34, %ge3A_65 : i32
      %convert_element_type3A_67 = arith.extui %ge3A_66 : i1 to i32
      %cond3A_68 = arith.constant 0 : i32
      %cond3A_69 = arith.cmpi ne, %convert_element_type3A_67, %cond3A_68 : i32
      scf.if %cond3A_69 {
        %dma_wait3A_90 = arith.constant 0 : i32
        %dma_wait3A_91 = arith.constant 0 : i32
        %dma_wait3A_92 = tpu.memref_slice %arg4[%dma_wait3A_90, %add3A, %dma_wait3A_91] : memref<50x32x16384xf32, #tpu.memory_space<hbm>> -> memref<50x1x128xf32, #tpu.memory_space<hbm>>
        %dma_wait3A_93 = tpu.memref_squeeze %dma_wait3A_92 : memref<50x1x128xf32, #tpu.memory_space<hbm>> -> memref<50x128xf32, #tpu.memory_space<hbm>>
        %dma_wait3A_94 = arith.constant 0 : i32
        %dma_wait3A_95 = arith.constant 0 : i32
        %dma_wait3A_96 = tpu.memref_slice %arg4[%dma_wait3A_94, %add3A, %dma_wait3A_95] : memref<50x32x16384xf32, #tpu.memory_space<hbm>> -> memref<50x1x128xf32, #tpu.memory_space<hbm>>
        %dma_wait3A_97 = tpu.memref_squeeze %dma_wait3A_96 : memref<50x1x128xf32, #tpu.memory_space<hbm>> -> memref<50x128xf32, #tpu.memory_space<hbm>>
        tpu.wait_dma2 semaphore(%arg13 : memref<!tpu.dma_semaphore, #tpu.memory_space<semaphore_mem>>) src(%arg9 : memref<50x128xf32, #tpu.memory_space<vmem>>) dst(%dma_wait3A_97 : memref<50x128xf32, #tpu.memory_space<hbm>>)
      } else {
      }
      %parallel_loop3A_70 = arith.constant 0 : i32
      %parallel_loop3A_71 = arith.constant 400 : i32
      %parallel_loop3A_72 = arith.constant 1 : i32
      scf.for %parallel_loop3A_90 = %parallel_loop3A_70 to %parallel_loop3A_71 step %parallel_loop3A_72  : i32 {
        %parallel_loop3A_91 = arith.constant 8 : i32
        %parallel_loop3A_92 = arith.divsi %parallel_loop3A_90, %parallel_loop3A_91 : i32
        %parallel_loop3A_93 = arith.constant 0 : i32
        %parallel_loop3A_94 = arith.cmpi sgt, %parallel_loop3A_90, %parallel_loop3A_93 : i32
        %parallel_loop3A_95 = arith.extui %parallel_loop3A_94 : i1 to i32
        %parallel_loop3A_96 = arith.constant 0 : i32
        %parallel_loop3A_97 = arith.cmpi slt, %parallel_loop3A_90, %parallel_loop3A_96 : i32
        %parallel_loop3A_98 = arith.extui %parallel_loop3A_97 : i1 to i32
        %parallel_loop3A_99 = arith.subi %parallel_loop3A_95, %parallel_loop3A_98 : i32
        %parallel_loop3A_100 = arith.constant 0 : i32
        %parallel_loop3A_101 = arith.cmpi sgt, %parallel_loop3A_91, %parallel_loop3A_100 : i32
        %parallel_loop3A_102 = arith.extui %parallel_loop3A_101 : i1 to i32
        %parallel_loop3A_103 = arith.constant 0 : i32
        %parallel_loop3A_104 = arith.cmpi slt, %parallel_loop3A_91, %parallel_loop3A_103 : i32
        %parallel_loop3A_105 = arith.extui %parallel_loop3A_104 : i1 to i32
        %parallel_loop3A_106 = arith.subi %parallel_loop3A_102, %parallel_loop3A_105 : i32
        %parallel_loop3A_107 = arith.cmpi ne, %parallel_loop3A_99, %parallel_loop3A_106 : i32
        %parallel_loop3A_108 = arith.remsi %parallel_loop3A_90, %parallel_loop3A_91 : i32
        %parallel_loop3A_109 = arith.constant 0 : i32
        %parallel_loop3A_110 = arith.cmpi ne, %parallel_loop3A_108, %parallel_loop3A_109 : i32
        %parallel_loop3A_111 = arith.andi %parallel_loop3A_107, %parallel_loop3A_110 : i1
        %parallel_loop3A_112 = arith.constant 1 : i32
        %parallel_loop3A_113 = arith.subi %parallel_loop3A_92, %parallel_loop3A_112 : i32
        %parallel_loop3A_114 = arith.select %parallel_loop3A_111, %parallel_loop3A_113, %parallel_loop3A_92 : i32
        %parallel_loop3A_115 = arith.constant 8 : i32
        %parallel_loop3A_116 = arith.constant 0 : i32
        %parallel_loop3A_117 = arith.cmpi eq, %parallel_loop3A_115, %parallel_loop3A_116 : i32
        %parallel_loop3A_118 = arith.constant 1 : i32
        %parallel_loop3A_119 = arith.select %parallel_loop3A_117, %parallel_loop3A_118, %parallel_loop3A_115 : i32
        %parallel_loop3A_120 = arith.remsi %parallel_loop3A_90, %parallel_loop3A_119 : i32
        %parallel_loop3A_121 = arith.constant 0 : i32
        %parallel_loop3A_122 = arith.cmpi ne, %parallel_loop3A_120, %parallel_loop3A_121 : i32
        %parallel_loop3A_123 = arith.constant 0 : i32
        %parallel_loop3A_124 = arith.cmpi slt, %parallel_loop3A_120, %parallel_loop3A_123 : i32
        %parallel_loop3A_125 = arith.constant 0 : i32
        %parallel_loop3A_126 = arith.cmpi slt, %parallel_loop3A_119, %parallel_loop3A_125 : i32
        %parallel_loop3A_127 = arith.xori %parallel_loop3A_124, %parallel_loop3A_126 : i1
        %parallel_loop3A_128 = arith.andi %parallel_loop3A_127, %parallel_loop3A_122 : i1
        %parallel_loop3A_129 = arith.addi %parallel_loop3A_120, %parallel_loop3A_119 : i32
        %parallel_loop3A_130 = arith.select %parallel_loop3A_128, %parallel_loop3A_129, %parallel_loop3A_120 : i32
        %parallel_loop3A_131 = arith.constant 16 : i32
        %parallel_loop3A_132 = arith.muli %parallel_loop3A_130, %parallel_loop3A_131 : i32
        %parallel_loop3A_133 = arith.index_cast %parallel_loop3A_114 : i32 to index
        %parallel_loop3A_134 = arith.index_cast %parallel_loop3A_132 : i32 to index
        %parallel_loop3A_135 = tpu.vector_load %arg7[%parallel_loop3A_133, %parallel_loop3A_134] {strides = array<i32>} : memref<50x128xi32, #tpu.memory_space<vmem>>, vector<16xi32>,
        %parallel_loop3A_136 = tpu.vector_load_idx %arg5[%parallel_loop3A_135] : memref<100001xf32, #tpu.memory_space<vmem>>[vector<16xi32>], vector<16xf32>,
        %parallel_loop3A_137 = arith.index_cast %parallel_loop3A_114 : i32 to index
        %parallel_loop3A_138 = arith.index_cast %parallel_loop3A_132 : i32 to index
        %parallel_loop3A_139 = tpu.vector_load %arg9[%parallel_loop3A_137, %parallel_loop3A_138] {strides = array<i32>} : memref<50x128xf32, #tpu.memory_space<vmem>>, vector<16xf32>,
        tpu.vector_store %arg9[%parallel_loop3A_137, %parallel_loop3A_138], %parallel_loop3A_136 {strides = array<i32>} : memref<50x128xf32, #tpu.memory_space<vmem>>, vector<16xf32>,
      } {sc.loop_unroll_factor = 8 : i64, sc.parallel_access}
      %add3A_73 = arith.constant 1 : i32
      %add3A_74 = arith.addi %mul3A_34, %add3A_73 : i32
      %mul3A_75 = arith.constant 128 : i32
      %mul3A_76 = arith.muli %add3A_74, %mul3A_75 : i32
      %dma_start3A_77 = arith.constant 0 : i32
      %dma_start3A_78 = tpu.memref_slice %arg4[%dma_start3A_77, %add3A, %mul3A_76] : memref<50x32x16384xf32, #tpu.memory_space<hbm>> -> memref<50x1x128xf32, #tpu.memory_space<hbm>>
      %dma_start3A_79 = tpu.memref_squeeze %dma_start3A_78 : memref<50x1x128xf32, #tpu.memory_space<hbm>> -> memref<50x128xf32, #tpu.memory_space<hbm>>
      %dma_start3A_80 = arith.constant 0 : i32
      %dma_start3A_81 = tpu.memref_slice %arg4[%dma_start3A_80, %add3A, %mul3A_76] : memref<50x32x16384xf32, #tpu.memory_space<hbm>> -> memref<50x1x128xf32, #tpu.memory_space<hbm>>
      %dma_start3A_82 = tpu.memref_squeeze %dma_start3A_81 : memref<50x1x128xf32, #tpu.memory_space<hbm>> -> memref<50x128xf32, #tpu.memory_space<hbm>>
      tpu.enqueue_dma source(%arg9 : memref<50x128xf32, #tpu.memory_space<vmem>>) target(%dma_start3A_82 : memref<50x128xf32, #tpu.memory_space<hbm>>) target_semaphore(%arg13 : memref<!tpu.dma_semaphore, #tpu.memory_space<semaphore_mem>>)
      %add3A_83 = arith.constant 3 : i32
      %add3A_84 = arith.addi %mul3A_34, %add3A_83 : i32
      %lt3A_85 = arith.constant 128 : i32
      %lt3A_86 = arith.cmpi slt, %add3A_84, %lt3A_85 : i32
      %convert_element_type3A_87 = arith.extui %lt3A_86 : i1 to i32
      %cond3A_88 = arith.constant 0 : i32
      %cond3A_89 = arith.cmpi ne, %convert_element_type3A_87, %cond3A_88 : i32
      scf.if %cond3A_89 {
        %add3A_90 = arith.constant 3 : i32
        %add3A_91 = arith.addi %mul3A_34, %add3A_90 : i32
        %mul3A_92 = arith.constant 128 : i32
        %mul3A_93 = arith.muli %add3A_91, %mul3A_92 : i32
        %dma_start3A_94 = arith.constant 0 : i32
        %dma_start3A_95 = tpu.memref_slice %arg2[%dma_start3A_94, %mul3A_93] : memref<50x16384xi32, #tpu.memory_space<hbm>> -> memref<50x128xi32, #tpu.memory_space<hbm>>
        %dma_start3A_96 = arith.constant 0 : i32
        %dma_start3A_97 = tpu.memref_slice %arg2[%dma_start3A_96, %mul3A_93] : memref<50x16384xi32, #tpu.memory_space<hbm>> -> memref<50x128xi32, #tpu.memory_space<hbm>>
        tpu.enqueue_dma source(%dma_start3A_97 : memref<50x128xi32, #tpu.memory_space<hbm>>) target(%arg7 : memref<50x128xi32, #tpu.memory_space<vmem>>) target_semaphore(%arg11 : memref<!tpu.dma_semaphore, #tpu.memory_space<semaphore_mem>>)
      } else {
      }
    }
    %scan3A_16 = arith.constant 64 : i32
    %dma_wait3A = arith.constant 0 : i32
    %dma_wait3A_17 = arith.constant 0 : i32
    %dma_wait3A_18 = tpu.memref_slice %arg4[%dma_wait3A, %add3A, %dma_wait3A_17] : memref<50x32x16384xf32, #tpu.memory_space<hbm>> -> memref<50x1x128xf32, #tpu.memory_space<hbm>>
    %dma_wait3A_19 = tpu.memref_squeeze %dma_wait3A_18 : memref<50x1x128xf32, #tpu.memory_space<hbm>> -> memref<50x128xf32, #tpu.memory_space<hbm>>
    %dma_wait3A_20 = arith.constant 0 : i32
    %dma_wait3A_21 = arith.constant 0 : i32
    %dma_wait3A_22 = tpu.memref_slice %arg4[%dma_wait3A_20, %add3A, %dma_wait3A_21] : memref<50x32x16384xf32, #tpu.memory_space<hbm>> -> memref<50x1x128xf32, #tpu.memory_space<hbm>>
    %dma_wait3A_23 = tpu.memref_squeeze %dma_wait3A_22 : memref<50x1x128xf32, #tpu.memory_space<hbm>> -> memref<50x128xf32, #tpu.memory_space<hbm>>
    tpu.wait_dma2 semaphore(%arg12 : memref<!tpu.dma_semaphore, #tpu.memory_space<semaphore_mem>>) src(%arg8 : memref<50x128xf32, #tpu.memory_space<vmem>>) dst(%dma_wait3A_23 : memref<50x128xf32, #tpu.memory_space<hbm>>)
    %dma_wait3A_24 = arith.constant 0 : i32
    %dma_wait3A_25 = arith.constant 0 : i32
    %dma_wait3A_26 = tpu.memref_slice %arg4[%dma_wait3A_24, %add3A, %dma_wait3A_25] : memref<50x32x16384xf32, #tpu.memory_space<hbm>> -> memref<50x1x128xf32, #tpu.memory_space<hbm>>
    %dma_wait3A_27 = tpu.memref_squeeze %dma_wait3A_26 : memref<50x1x128xf32, #tpu.memory_space<hbm>> -> memref<50x128xf32, #tpu.memory_space<hbm>>
    %dma_wait3A_28 = arith.constant 0 : i32
    %dma_wait3A_29 = arith.constant 0 : i32
    %dma_wait3A_30 = tpu.memref_slice %arg4[%dma_wait3A_28, %add3A, %dma_wait3A_29] : memref<50x32x16384xf32, #tpu.memory_space<hbm>> -> memref<50x1x128xf32, #tpu.memory_space<hbm>>
    %dma_wait3A_31 = tpu.memref_squeeze %dma_wait3A_30 : memref<50x1x128xf32, #tpu.memory_space<hbm>> -> memref<50x128xf32, #tpu.memory_space<hbm>>
    tpu.wait_dma2 semaphore(%arg13 : memref<!tpu.dma_semaphore, #tpu.memory_space<semaphore_mem>>) src(%arg9 : memref<50x128xf32, #tpu.memory_space<vmem>>) dst(%dma_wait3A_31 : memref<50x128xf32, #tpu.memory_space<hbm>>)
    return
  }
}

</mosaic_0001>

<sc_bundles>
// kernel: kernel.3.cloned.1.call-start
scs
__scs_entry_jumppad:
0x0: {  	(pc) =	sbr.rel $0x88, $3  }
0x1: {  	(tag) =	ssettag $0x0;
	lr =	simm.s32 $0x1  }
0x2: {  	[smem:$0x3F9F] =	sst lr;
	_ =	strace $0xD0000000  }
0x3: {  	_ = 	snop  }
0x4: {  	_ = 	snop  }
0x5: {  	_ = 	snop  }
0x6: {  	_ = 	snop  }
0x7: {  	_ = 	snop  }
__scs_overlays_trampoline_lowered:
0x8: {  	[smem:$0x3FAE] =	sst s0  }
0x9: {  	[smem:$0x3FAF] =	sst s1  }
0xa: {  	[smem:$0x3FB0] =	sst s2  }
0xb: {  	[smem:$0x3FB1] =	sst s3  }
0xc: {  	[smem:$0x3FB2] =	sst s4  }
0xd: {  	[smem:$0x3FB3] =	sst s5  }
0xe: {  	[smem:$0x3FB4] =	sst s6  }
0xf: {  	[smem:$0x3FB5] =	sst s7  }
0x10: {  	[smem:$0x3FB6] =	sst s8  }
0x11: {  	[smem:$0x3FB7] =	sst s9;
	s0 =	simm.s32 @!p0 $0x0  }
0x12: {  	s1 =	sld [smem:$0x3F9D];
	s0 =	simm.s32 @p0 $0x1  }
0x13: {  	[smem:$0x3FB8] =	sst s0;
	s0 =	simm.s32 @!p1 $0x0  }
0x14: {  	s2 =	sld [smem:$0x3F9C];
	s0 =	simm.s32 @p1 $0x1  }
0x15: {  	[smem:$0x3FB9] =	sst s0;
	s0 =	simm.s32 @!p2 $0x0  }
0x16: {  	s3 =	sld [smem:$0x3FDB];
	s0 =	simm.s32 @p2 $0x1  }
0x17: {  	s4 =	simm.s32 $0x1BF5;
	[smem:$0x3FBB] =	sst s0  }
0x18: {  	s0 =	sld [smem:$0x3F9E];
	_ =	swait.ge [sflag:s4], $0x0  }
0x19: {  	s7 =	sld [smem:$0x3F9F]  }
0x1a: {  	s8 =	sadd.s32 $0xFFFFE003, lr  }
0x1b: {  	s9 =	sadd.s32 $0xFFFFFEF7, lr;
	s5 =	simm.s32 $0xFFFFFFFF;
	p2 =	slt.u32 s8, $0xFFFFF086  }
0x1c: {  	p1 =	slt.u32 s9, $0xF7A;
	s5 =	simm.s32 @!p2 $0x0  }
0x1d: {  	s5 =	simm.s32 @p1 $0x1;
	p0 =	seq.s32 s7, s2  }
0x1e: {  	s7 =	smul.u32 @!p0 $0xF7A, s2;
	p2 =	seq.s32 @!p0 s5, $0x0  }
0x1f: {  	s9 =	smul.u32 $0xF7A, s1;
	s8 =	simm.s32 @!p0 $0x1BF5;
	p2 =	por !p2, p0  }
0x20: {  	[sflag:s8] =	ssyncset.s32 @!p0 $0xFFFFF086;
	s6 =	sadd.s32 @!p0 s3, s7;
	s7 =	simm.s32 @!p0 $0x108  }
0x21: {  	s3 =	sadd.s32 s3, s9;
	s6 =	sadd.s32 @!p0 $0x88, s6;
	s7 =	simm.s32 @p2 $0x1082  }
0x22: {  	[simem:s7], [sflag:s8] =	dma.local @!p0 [hbm:s6], $0xF7A  }
0x23: {  	s9 =	sor.u32 $0xD0000000, s2;
	s6 =	simm.s32 $0x108;
	_ =	swait.ge @!p0 [sflag:s8], $0x0  }
0x24: {  	s3 =	sadd.s32 $0x88, s3;
	s6 =	simm.s32 @!p1 $0x1082;
	[sflag:s4] =	ssyncset.s32 $0xFFFFF086  }
0x25: {  	[simem:s6], [sflag:s4] =	dma.local [hbm:s3], $0xF7A  }
0x26: {  	[smem:$0x3F9F] =	sst s1;
	(tag) =	ssettag s2;
	_ =	strace s9  }
0x27: {  	s1 =	sld [smem:$0x3FAF]  }
0x28: {  	s2 =	sld [smem:$0x3FB0]  }
0x29: {  	s4 =	sld [smem:$0x3FB2]  }
0x2a: {  	p0 =	seq.s32 s5, $0x0;
	s5 =	sld [smem:$0x3FB3]  }
0x2b: {  	s6 =	sld [smem:$0x3FB4]  }
0x2c: {  	s7 =	sld [smem:$0x3FB5]  }
0x2d: {  	s3 =	simm.s32 $0x108;
	s8 =	sld [smem:$0x3FB6]  }
0x2e: {  	s3 =	simm.s32 @!p0 $0x1082;
	s9 =	sld [smem:$0x3FB7]  }
0x2f: {  	lr =	sadd.s32 s0, s3;
	s0 =	sld [smem:$0x3FAE]  }
0x30: {  	s3 =	sld [smem:$0x3FB1]  }
0x31: {  	[smem:$0x3FBA] =	sst s10  }
0x32: {  	s10 =	sld [smem:$0x3FB8];
	_ =	sdelay $0x3  }
0x33: {  	p0 =	seq.s32 s10, $0x1;
	s10 =	sld [smem:$0x3FBA];
	_ =	sdelay $0x3  }
0x34: {  	[smem:$0x3FBA] =	sst s10  }
0x35: {  	s10 =	sld [smem:$0x3FB9];
	_ =	sdelay $0x3  }
0x36: {  	p1 =	seq.s32 s10, $0x1;
	s10 =	sld [smem:$0x3FBA];
	_ =	sdelay $0x3  }
0x37: {  	[smem:$0x3FBA] =	sst s10  }
0x38: {  	s10 =	sld [smem:$0x3FBB]  }
0x39: {  	_ = 	snop;
	(pc) =	sbr.ind lr, $3  }
0x3a: {  	_ = 	snop  }
0x3b: {  	_ = 	snop  }
0x3c: {  	p2 =	seq.s32 s10, $0x1;
	s10 =	sld [smem:$0x3FBA]  }
0x3d: {  	_ =	shalt  }
0x3e: {  	_ =	shalt  }
0x3f: {  	_ =	shalt  }
0x40: {  	_ =	shalt  }
0x41: {  	_ =	shalt  }
0x42: {  	_ =	shalt  }
0x43: {  	_ =	shalt  }
0x44: {  	_ =	shalt  }
0x45: {  	_ =	shalt  }
0x46: {  	_ =	shalt  }
0x47: {  	_ =	shalt  }
0x48: {  	_ =	shalt  }
0x49: {  	_ =	shalt  }
0x4a: {  	_ =	shalt  }
0x4b: {  	_ =	shalt  }
0x4c: {  	_ =	shalt  }
0x4d: {  	_ =	shalt  }
0x4e: {  	_ =	shalt  }
0x4f: {  	_ =	shalt  }
0x50: {  	_ =	shalt  }
0x51: {  	_ =	shalt  }
0x52: {  	_ =	shalt  }
0x53: {  	_ =	shalt  }
0x54: {  	_ =	shalt  }
0x55: {  	_ =	shalt  }
0x56: {  	_ =	shalt  }
0x57: {  	_ =	shalt  }
0x58: {  	_ =	shalt  }
0x59: {  	_ =	shalt  }
0x5a: {  	_ =	shalt  }
0x5b: {  	_ =	shalt  }
0x5c: {  	_ =	shalt  }
0x5d: {  	_ =	shalt  }
0x5e: {  	_ =	shalt  }
0x5f: {  	_ =	shalt  }
0x60: {  	_ =	shalt  }
0x61: {  	_ =	shalt  }
0x62: {  	_ =	shalt  }
0x63: {  	_ =	shalt  }
0x64: {  	_ =	shalt  }
0x65: {  	_ =	shalt  }
0x66: {  	_ =	shalt  }
0x67: {  	_ =	shalt  }
0x68: {  	_ =	shalt  }
0x69: {  	_ =	shalt  }
0x6a: {  	_ =	shalt  }
0x6b: {  	_ =	shalt  }
0x6c: {  	_ =	shalt  }
0x6d: {  	_ =	shalt  }
0x6e: {  	_ =	shalt  }
0x6f: {  	_ =	shalt  }
0x70: {  	_ =	shalt  }
0x71: {  	_ =	shalt  }
0x72: {  	_ =	shalt  }
0x73: {  	_ =	shalt  }
0x74: {  	_ =	shalt  }
0x75: {  	_ =	shalt  }
0x76: {  	_ =	shalt  }
0x77: {  	_ =	shalt  }
0x78: {  	_ =	shalt  }
0x79: {  	_ =	shalt  }
0x7a: {  	_ =	shalt  }
0x7b: {  	_ =	shalt  }
0x7c: {  	_ =	shalt  }
0x7d: {  	_ =	shalt  }
0x7e: {  	_ =	shalt  }
0x7f: {  	_ =	shalt  }
0x80: {  	_ =	shalt  }
0x81: {  	_ =	shalt  }
0x82: {  	_ =	shalt  }
0x83: {  	_ =	shalt  }
0x84: {  	_ =	shalt  }
0x85: {  	_ =	shalt  }
0x86: {  	_ =	shalt  }
0x87: {  	_ =	shalt  }
.Lfunc_end0:
.L_simem_size_0:
called_computation_lowered:
.L_overlay_start_0:
0x88: {  	s2 =	sld [smem:$0x3FD9]  }
0x89: {  	s3 =	sld [smem:$0x3FFE];
	_ =	sdelay $0x1  }
0x8a: {  	s1 =	srdreg.scid  }
0x8b: {  	s0 =	sand.u32 $0x1, s1  }
0x8c: {  	s18 =	sshll.u32 s0, $0xA;
	s2 =	sadd.s32 s3, s2  }
0x8d: {  	s2 =	sadd.s32 s2, s18  }
0x8e: {  	[smem:$0x3FC6] =	sst s2  }
0x8f: {  	_ = 	snop  }
0x90: {  	s2 =	sld [smem:$0x3FC9]  }
0x91: {  	s19 =	sld [smem:$0x3FC8]  }
0x92: {  	s4 =	sld [smem:$0x3FD0];
	(tm) =	ssettm $0x1  }
0x93: {  	s5 =	sld [smem:$0x3FFB];
	_ =	sdelay $0x3  }
0x94: {  	_ =	strace s5  }
0x95: {  	s5 =	sld [smem:$0x3FFC];
	_ =	sdelay $0x3  }
0x96: {  	_ =	strace s5  }
0x97: {  	s5 =	sld [smem:$0x3FFD];
	_ =	sdelay $0x3  }
0x98: {  	_ =	strace s5  }
0x99: {  	_ =	strace $0x8FFFFFFF  }
0x9a: {  	s20 =	sld [smem:$0x3FDB];
	_ =	sdelay $0x1  }
0x9b: {  	s6 =	simm.s32 $_scs_section_size  }
0x9c: {  	s7 =	simm.s32 $_size__tile_overlayer_lowered;
	s8 =	simm.s32 $_tile_overlayer_lowered  }
0x9d: {  	s23 =	simm.s32 $0x1BFF;
	s22 =	sshll.u32 s8, $0x1;
	s5 =	sadd.s32 s6, s20  }
0x9e: {  	s9 =	simm.s32 $0x0;
	s21 =	sshll.u32 s7, $0x1;
	s7 =	sadd.s32 s22, s5  }
0x9f: {  	[timem:s9], [sflag:s23] =	dma.local [hbm:s7], s21  }
0xa0: {  	_ =	swait.ge [sflag:s23], s21  }
0xa1: {  	s6 =	ssub.s32 $0x0, s21;
	[sflag:s23] =	ssyncset.done $0x0  }
0xa2: {  	[sflag:s23] =	ssyncadd.s32 s6;
	_ =	sdelay $0x1  }
0xa3: {  	s24 =	simm.s32 $0x1B8B  }
0xa4: {  	_ =	swait.ge [sflag:s24], $0x1  }
0xa5: {  	[sflag:s24] =	ssyncset.done $0x0  }
0xa6: {  	s25 =	simm.s32 $0x1B8E;
	[sflag:s24] =	ssyncadd.s32 $0xFFFFFFFF  }
0xa7: {  	s26 =	simm.s32 $execute0_lowered;
	[smem:$0x3FD2] =	sst s25  }
0xa8: {  	s6 =	sshll.u32 s26, $0x1;
	_ =	strace $0x80000046;
	[dreg:$0x1] =	wrdreg $0xFFFFFFFF  }
0xa9: {  	s28 =	simm.s32 $_size_execute0_lowered;
	s5 =	sadd.s32 s5, s6;
	[dreg:$0x0] =	wrdreg $0x0  }
0xaa: {  	s6 =	sshll.u32 s28, $0x1;
	[dreg:$0x2] =	wrdreg s5  }
0xab: {  	[dreg:$0x3] =	wrdreg s6  }
0xac: {  	[dreg:$0x4] =	wrdreg $0xC0  }
0xad: {  	_ =	task [dreg:s9], $0x5FFFF  }
0xae: {  	[dreg:$0x1] =	wrdreg $0xFFFFFFFF  }
0xaf: {  	[dreg:$0x0] =	wrdreg $0x60  }
0xb0: {  	[dreg:$0x2] =	wrdreg s2  }
0xb1: {  	[dreg:$0x3] =	wrdreg s19  }
0xb2: {  	[dreg:$0x4] =	wrdreg s4  }
0xb3: {  	[dreg:$0x5] =	wrdreg $0x9  }
0xb4: {  	_ =	task.clear_ibuf [dreg:s9], $0x6FFFF;
	_ =	strace $0x90000046  }
0xb5: {  	s29 =	simm.s32 $0x9;
	_ =	strace $0x80000048  }
0xb6: {  	_ =	swait.ge [sflag:s29], $0x1  }
0xb7: {  	[sflag:s29] =	ssyncadd.s32 $0xFFFFFFFF  }
0xb8: {  	_ =	strace $0x90000048  }
0xb9: {  	_ =	sfence  }
0xba: {  	s30 =	sld [smem:$0x0];
	_ =	sdelay $0x2  }
0xbb: {  	s31 =	sshll.u32 s1, $0xD;
	s1 =	sshrl.u32 s1, $0x2  }
0xbc: {  	s3 =	sand.u32 $0x4000, s31;
	s1 =	sadd.s32 s1, s30  }
0xbd: {  	s0 =	sor.u32 s3, s0;
	s1 =	sshll.u32 s1, $0x11  }
0xbe: {  	s0 =	sor.u32 s1, s0  }
0xbf: {  	s0 =	sadd.s32 $0x8F2B, s0  }
0xc0: {  	[sflag:s0] =	ssyncadd.remote.s32 $0x1  }
0xc1: {  	_ =	sfence.sel $0xFFFF  }
0xc2: {  	[dreg:$0x0] =	wrdreg $0xFFFFFFFF;
	(pc) =	sbr.abs _section_cstart, $3  }
0xc3: {  	[dreg:$0x1] =	wrdreg $0xFFFFFFFF  }
0xc4: {  	_ =	task.clear_ibuf [dreg:s9], $0x2FFFF;
	_ =	strace $0x9FFFFFFF  }
0xc5: {  	(tm) =	ssettm $0x7FFFFFFF  }
tec
execute0_lowered:
.L_overlay_start_1:
0x0: {  	(tag) =	ssettag $0x1  }
0x1: {  	s11 =	rddreg [dreg:$0x0]  }
0x2: {  	s0 =	rddreg [dreg:$0x1]  }
0x3: {  	s2 =	rddreg [dreg:$0x2];
	s1 =	srdreg.scid  }
0x4: {  	s4 =	stileid.u32;
	s13 =	simm.s32 $0x80;
	s14 =	simm.s32 $0x400  }
0x5: {  	s15 =	simm.s32 $0x5;
	s16 =	simm.s32 $0x20000;
	s17 =	simm.s32 $0x18700  }
0x6: {  	s18 =	simm.s32 $0x19F00;
	s19 =	simm.s32 $0x1A300;
	s21 =	simm.s32 $0x1BB00  }
0x7: {  	s22 =	simm.s32 $0x1;
	s23 =	simm.s32 $0x80000;
	s24 =	simm.s32 $0x1BF00  }
0x8: {  	s28 =	simm.s32 $0x1DB00;
	s29 =	simm.s32 $0x3;
	s30 =	simm.s32 $0x0  }
0x9: {  	s1 =	sand.u32 $0x1, s1;
	s3 =	sshrl.u32 s4, $0x2;
	s4 =	sshll.u32 s4, $0x8  }
0xa: {  	s31 =	sadd.s32 $0x18000, s11;
	s9 =	sadd.s32 $0x100, s11;
	s5 =	sshll.u32 s1, $0x7  }
0xb: {  	s6 =	sand.u32 $0x300, s4;
	s7 =	smul.u32 $0xC3800, s3;
	s4 =	simm.s32 $0x0  }
0xc: {  	s1 =	ssub.s32 $0x2, s1;
	s26 =	sshll.u32 s3, $0x11;
	s5 =	sor.u32 s5, s6  }
0xd: {  	[smem:$0x7FF] =	sst s4;
	s25 =	sshrl.u32 s1, $0x1;
	s6 =	sor.u32 s7, s5  }
.Ltmp0:
0xe: {  	_ =	strace $0x80000047;
	s1 =	ssub.s32 s1, s25;
	(pc) =	sbr.rel .LBB2_1-.Ltmp0, $4  }
0xf: {  	[dreg:$0x5] =	wrdreg s31;
	s7 =	sadd.s32 $0x80, s11;
	s8 =	sor.u32 s26, s5  }
0x10: {  	s11 =	sadd.s32 $0x180, s11;
	s25 =	simm.s32 $0x2;
	s6 =	sshrl.u32 s6, $0x3  }
0x11: {  	s26 =	simm.s32 $0x4;
	s10 =	sor.u32 $0x400, s8;
	s0 =	sadd.s32 s0, s6  }
0x12: {  	s12 =	smax.u32 s1, $0x1;
	s20 =	sadd.s32 $0x18000, s7;
	[dreg:$0x4] =	wrdreg s0  }
.LBB2_12:
0x13: {  	s30 =	sadd.s32 $0x1, s30  }
0x14: {  	_ =	swait.ge [sflag:s29], $0x1900;
	p0 =	sne.s32 s30, s12  }
.Ltmp1:
0x15: {  	[sflag:s29] =	ssyncset.done $0x0;
	(pc) =	sbr.rel @!p0 .LBB2_13-.Ltmp1, $4  }
0x16: {  	[sflag:s29] =	ssyncadd.s32 $0xFFFFE700  }
0x17: {  	_ =	swait.ge [sflag:s26], $0x1900  }
0x18: {  	[sflag:s26] =	ssyncset.done $0x0  }
0x19: {  	[sflag:s26] =	ssyncadd.s32 $0xFFFFE700  }
.LBB2_1:
0x1a: {  	s0 =	rddreg [dreg:$0x4]  }
0x1b: {  	[tilespmem:s4], [sflag:$0x5] =	stream.strided.gather [hbm4b:s0+s13], $0x18700, s14, s13, $0x38;
	[tilespmem:$0x1F700] =	vst v63  }
0x1c: {  	_ =	swait.ge [sflag:s15], $0x18700  }
0x1d: {  	[sflag:s15] =	ssyncset.done $0x0  }
0x1e: {  	[sflag:s15] =	ssyncadd.s32 $0xFFFE7900  }
0x1f: {  	s5 =	rddreg [dreg:$0x0]  }
0x20: {  	[tilespmem:s17], [sflag:$0x1] =	stream.strided.gather [hbm4b:s5+s14], $0x1800, s16, s14, $0x38;
	[tilespmem:$0x1F700] =	vst v63  }
0x21: {  	s6 =	rddreg [dreg:$0x5]  }
0x22: {  	[tilespmem:s18], [sflag:$0x1] =	stream.linear.gather [hbm4b:s6+s4], $0x100, $0x38;
	[tilespmem:$0x1F700] =	vst v63  }
0x23: {  	_ = 	snop  }
0x24: {  	[tilespmem:s19], [sflag:$0x2] =	stream.strided.gather [hbm4b:s7+s14], $0x1800, s16, s14, $0x38;
	[tilespmem:$0x1F700] =	vst v63  }
0x25: {  	s31 =	simm.s32 $0x0  }
0x26: {  	[tilespmem:s21], [sflag:$0x2] =	stream.linear.gather [hbm4b:s20+s4], $0x100, $0x38;
	[tilespmem:$0x1F700] =	vst v63  }
.LBB2_2:
0x27: {  	_ =	swait.ge [sflag:s22], $0x1900  }
0x28: {  	p0 =	seq.s32 s31, $0x0;
	[sflag:s22] =	ssyncset.done $0x0  }
0x29: {  	s0 =	simm.s32 @!p0 $0x3;
	[sflag:s22] =	ssyncadd.s32 $0xFFFFE700  }
0x2a: {  	_ =	swait.ge @!p0 [sflag:s0], $0x1900  }
0x2b: {  	[sflag:s0] =	ssyncset.done @!p0 $0x0  }
0x2c: {  	s6 =	simm.s32 $0x18740;
	[sflag:s0] =	ssyncadd.s32 @!p0 $0xFFFFE700  }
0x2d: {  	v0 =	vld [tilespmem:s6+$0x30]  }
0x2e: {  	v1 =	vld [tilespmem:s6+$0xFFFFFFD0]  }
0x2f: {  	v2 =	vld [tilespmem:s6+$0xFFFFFFE0]  }
0x30: {  	v3 =	vld [tilespmem:s6+$0xFFFFFFF0]  }
0x31: {  	v6 =	vld [tilespmem:s6+$0x0]  }
0x32: {  	v7 =	vld [tilespmem:s6+$0x10]  }
0x33: {  	v8 =	vld [tilespmem:s6+$0x20]  }
0x34: {  	v9 =	vld [tilespmem:s6+$0xFFFFFFC0]  }
0x35: {  	v10 =	vld.idx.msk [tilespmem:v0+s4+$0x0], $0xffff  }
0x36: {  	v11 =	vld.idx.msk [tilespmem:v1+s4+$0x0], $0xffff  }
0x37: {  	v5 =	vld.idx.msk [tilespmem:v2+s4+$0x0], $0xffff  }
0x38: {  	v4 =	vld.idx.msk [tilespmem:v3+s4+$0x0], $0xffff  }
0x39: {  	v2 =	vld.idx.msk [tilespmem:v6+s4+$0x0], $0xffff  }
0x3a: {  	s1 =	simm.s32 $0x1BF40;
	v1 =	vld.idx.msk [tilespmem:v7+s4+$0x0], $0xffff  }
0x3b: {  	v0 =	vld.idx.msk [tilespmem:v8+s4+$0x0], $0xffff;
	[tilespmem:s1+$0x30] =	vst v10  }
0x3c: {  	s3 =	sshll.u32 s31, $0x8;
	s5 =	simm.s32 $0x187C0;
	s0 =	simm.s32 $0x0;
	v3 =	vld.idx.msk [tilespmem:v9+s4+$0x0], $0xffff;
	[tilespmem:s1+$0xFFFFFFD0] =	vst v11  }
.LBB2_3:
0x3d: {  	v6 =	vld [tilespmem:s5+$0x30];
	s0 =	sadd.s32 $0x8, s0;
	[tilespmem:s1+$0xFFFFFFE0] =	vst v5  }
0x3e: {  	v5 =	vld [tilespmem:s5+$0xFFFFFFD0];
	p1 =	slt.u32 s0, $0x188;
	[tilespmem:s1+$0xFFFFFFF0] =	vst v4  }
0x3f: {  	v4 =	vld [tilespmem:s5+$0xFFFFFFE0];
	[tilespmem:s1+$0x0] =	vst v2  }
0x40: {  	v2 =	vld [tilespmem:s5+$0xFFFFFFF0];
	[tilespmem:s1+$0x10] =	vst v1  }
0x41: {  	v1 =	vld [tilespmem:s5+$0x0];
	[tilespmem:s1+$0x20] =	vst v0  }
0x42: {  	v0 =	vld [tilespmem:s5+$0x10];
	[tilespmem:s1+$0xFFFFFFC0] =	vst v3  }
0x43: {  	v3 =	vld [tilespmem:s5+$0x20]  }
0x44: {  	v7 =	vld [tilespmem:s5+$0xFFFFFFC0]  }
0x45: {  	v6 =	vld.idx.msk [tilespmem:v6+s4+$0x0], $0xffff  }
0x46: {  	v8 =	vld.idx.msk [tilespmem:v5+s4+$0x0], $0xffff  }
0x47: {  	v5 =	vld.idx.msk [tilespmem:v4+s4+$0x0], $0xffff  }
.Ltmp2:
0x48: {  	v4 =	vld.idx.msk [tilespmem:v2+s4+$0x0], $0xffff;
	(pc) =	sbr.rel @p1 .LBB2_3-.Ltmp2, $4  }
0x49: {  	v2 =	vld.idx.msk [tilespmem:v1+s4+$0x0], $0xffff  }
0x4a: {  	s1 =	sadd.s32 $0x80, s1;
	v1 =	vld.idx.msk [tilespmem:v0+s4+$0x0], $0xffff  }
0x4b: {  	v0 =	vld.idx.msk [tilespmem:v3+s4+$0x0], $0xffff;
	[tilespmem:s1+$0x30] =	vst v6  }
0x4c: {  	s5 =	sadd.s32 $0x80, s5;
	v3 =	vld.idx.msk [tilespmem:v7+s4+$0x0], $0xffff;
	[tilespmem:s1+$0xFFFFFFD0] =	vst v8  }
0x4d: {  	[tilespmem:s1+$0xFFFFFFE0] =	vst v5  }
0x4e: {  	[tilespmem:s1+$0xFFFFFFF0] =	vst v4;
	p1 =	sne.s32 s31, $0x3F  }
.Ltmp3:
0x4f: {  	s0 =	sshll.u32 s31, $0xB;
	[tilespmem:s1+$0x0] =	vst v2;
	(pc) =	sbr.rel @p1 .LBB2_6-.Ltmp3, $4  }
0x50: {  	s5 =	sor.u32 s0, s8;
	[tilespmem:s1+$0x10] =	vst v1  }
0x51: {  	s5 =	sshrl.u32 s5, $0x3;
	[tilespmem:s1+$0x20] =	vst v0  }
0x52: {  	s6 =	sadd.s32 s2, s5;
	[tilespmem:s1+$0xFFFFFFC0] =	vst v3  }
0x53: {  	[hbm4b:s6+s13] =	stream.strided.scatter [tilespmem:s24], [sflag:$0x3], $0x1900, s23, s13, $0x38;
	[tilespmem:$0x1F700] =	vst v63  }
.Ltmp4:
0x54: {  	(pc) =	sbr.rel .LBB2_7-.Ltmp4, $4  }
0x55: {  	_ = 	snop  }
0x56: {  	_ =	swait.ge [sflag:s25], $0x1900  }
0x57: {  	[sflag:s25] =	ssyncset.done $0x0  }
0x58: {  	[sflag:s25] =	ssyncadd.s32 $0xFFFFE700  }
.LBB2_6:
0x59: {  	s1 =	sadd.s32 s3, s9  }
0x5a: {  	[tilespmem:s17], [sflag:$0x1] =	stream.strided.gather [hbm4b:s1+s14], $0x1800, s16, s14, $0x38;
	[tilespmem:$0x1F700] =	vst v63  }
.Ltmp5:
0x5b: {  	s1 =	sadd.s32 $0x18000, s1;
	(pc) =	sbr.rel @p0 .LBB2_8-.Ltmp5, $4  }
0x5c: {  	[tilespmem:s18], [sflag:$0x1] =	stream.linear.gather [hbm4b:s1+s4], $0x100, $0x38;
	[tilespmem:$0x1F700] =	vst v63  }
0x5d: {  	_ =	swait.ge [sflag:s25], $0x1900  }
0x5e: {  	[sflag:s25] =	ssyncset.done $0x0  }
0x5f: {  	[sflag:s25] =	ssyncadd.s32 $0xFFFFE700  }
.LBB2_7:
0x60: {  	_ =	swait.ge [sflag:s26], $0x1900  }
0x61: {  	[sflag:s26] =	ssyncset.done $0x0  }
0x62: {  	[sflag:s26] =	ssyncadd.s32 $0xFFFFE700  }
.LBB2_8:
0x63: {  	s1 =	simm.s32 $0x1A340  }
0x64: {  	v0 =	vld [tilespmem:s1+$0x30]  }
0x65: {  	v1 =	vld [tilespmem:s1+$0xFFFFFFD0]  }
0x66: {  	v2 =	vld [tilespmem:s1+$0xFFFFFFE0]  }
0x67: {  	v3 =	vld [tilespmem:s1+$0xFFFFFFF0]  }
0x68: {  	v6 =	vld [tilespmem:s1+$0x0]  }
0x69: {  	v7 =	vld [tilespmem:s1+$0x10]  }
0x6a: {  	v8 =	vld [tilespmem:s1+$0x20]  }
0x6b: {  	v9 =	vld [tilespmem:s1+$0xFFFFFFC0]  }
0x6c: {  	v10 =	vld.idx.msk [tilespmem:v0+s4+$0x0], $0xffff  }
0x6d: {  	v11 =	vld.idx.msk [tilespmem:v1+s4+$0x0], $0xffff  }
0x6e: {  	v5 =	vld.idx.msk [tilespmem:v2+s4+$0x0], $0xffff  }
0x6f: {  	v4 =	vld.idx.msk [tilespmem:v3+s4+$0x0], $0xffff  }
0x70: {  	v1 =	vld.idx.msk [tilespmem:v6+s4+$0x0], $0xffff  }
0x71: {  	s1 =	simm.s32 $0x1DB40;
	v2 =	vld.idx.msk [tilespmem:v7+s4+$0x0], $0xffff  }
0x72: {  	v0 =	vld.idx.msk [tilespmem:v8+s4+$0x0], $0xffff;
	[tilespmem:s1+$0x30] =	vst v10  }
0x73: {  	s5 =	simm.s32 $0x0;
	s6 =	simm.s32 $0x1A3C0;
	v3 =	vld.idx.msk [tilespmem:v9+s4+$0x0], $0xffff;
	[tilespmem:s1+$0xFFFFFFD0] =	vst v11  }
.LBB2_9:
0x74: {  	v6 =	vld [tilespmem:s6+$0x30];
	s5 =	sadd.s32 $0x8, s5;
	[tilespmem:s1+$0xFFFFFFE0] =	vst v5  }
0x75: {  	v5 =	vld [tilespmem:s6+$0xFFFFFFD0];
	p0 =	slt.u32 s5, $0x188;
	[tilespmem:s1+$0xFFFFFFF0] =	vst v4  }
0x76: {  	v4 =	vld [tilespmem:s6+$0xFFFFFFE0];
	[tilespmem:s1+$0x0] =	vst v1  }
0x77: {  	v1 =	vld [tilespmem:s6+$0xFFFFFFF0];
	[tilespmem:s1+$0x10] =	vst v2  }
0x78: {  	v2 =	vld [tilespmem:s6+$0x0];
	[tilespmem:s1+$0x20] =	vst v0  }
0x79: {  	v0 =	vld [tilespmem:s6+$0x10];
	[tilespmem:s1+$0xFFFFFFC0] =	vst v3  }
0x7a: {  	v3 =	vld [tilespmem:s6+$0x20]  }
0x7b: {  	v7 =	vld [tilespmem:s6+$0xFFFFFFC0]  }
0x7c: {  	v6 =	vld.idx.msk [tilespmem:v6+s4+$0x0], $0xffff  }
0x7d: {  	v8 =	vld.idx.msk [tilespmem:v5+s4+$0x0], $0xffff  }
0x7e: {  	v5 =	vld.idx.msk [tilespmem:v4+s4+$0x0], $0xffff  }
.Ltmp6:
0x7f: {  	v4 =	vld.idx.msk [tilespmem:v1+s4+$0x0], $0xffff;
	(pc) =	sbr.rel @p0 .LBB2_9-.Ltmp6, $4  }
0x80: {  	v1 =	vld.idx.msk [tilespmem:v2+s4+$0x0], $0xffff  }
0x81: {  	s1 =	sadd.s32 $0x80, s1;
	v2 =	vld.idx.msk [tilespmem:v0+s4+$0x0], $0xffff  }
0x82: {  	v0 =	vld.idx.msk [tilespmem:v3+s4+$0x0], $0xffff;
	[tilespmem:s1+$0x30] =	vst v6  }
0x83: {  	s6 =	sadd.s32 $0x80, s6;
	v3 =	vld.idx.msk [tilespmem:v7+s4+$0x0], $0xffff;
	[tilespmem:s1+$0xFFFFFFD0] =	vst v8  }
0x84: {  	[tilespmem:s1+$0xFFFFFFE0] =	vst v5  }
0x85: {  	[tilespmem:s1+$0xFFFFFFF0] =	vst v4;
	p0 =	seq.s32 s31, $0x3F  }
.Ltmp7:
0x86: {  	[tilespmem:s1+$0x0] =	vst v1;
	(pc) =	sbr.rel @p0 .LBB2_12-.Ltmp7, $4  }
0x87: {  	s0 =	sor.u32 s0, s10;
	[tilespmem:s1+$0x10] =	vst v2  }
0x88: {  	s0 =	sshrl.u32 s0, $0x3;
	[tilespmem:s1+$0x20] =	vst v0  }
0x89: {  	s0 =	sadd.s32 s2, s0;
	[tilespmem:s1+$0xFFFFFFC0] =	vst v3  }
0x8a: {  	[hbm4b:s0+s13] =	stream.strided.scatter [tilespmem:s28], [sflag:$0x4], $0x1900, s23, s13, $0x38;
	[tilespmem:$0x1F700] =	vst v63  }
.Ltmp8:
0x8b: {  	(pc) =	sbr.rel .LBB2_2-.Ltmp8, $4  }
0x8c: {  	s0 =	sadd.s32 s3, s11  }
0x8d: {  	[tilespmem:s19], [sflag:$0x2] =	stream.strided.gather [hbm4b:s0+s14], $0x1800, s16, s14, $0x38;
	[tilespmem:$0x1F700] =	vst v63  }
0x8e: {  	s31 =	sadd.s32 $0x1, s31;
	s0 =	sadd.s32 $0x18000, s0  }
0x8f: {  	[tilespmem:s21], [sflag:$0x2] =	stream.linear.gather [hbm4b:s0+s4], $0x100, $0x38;
	[tilespmem:$0x1F700] =	vst v63  }
.LBB2_13:
0x90: {  	_ =	sfence.sel $0x180000  }
0x91: {  	[bflag:$0x0] =	sbarrier.arrive $0xFFFF  }
0x92: {  	_ =	strace $0x90000047  }
0x93: {  	s0 =	stileid.u32;
	[bflag:$0x2] =	sbarrier.arrive $0xFFFF  }
0x94: {  	p0 =	sne.s32 s0, $0x0;
	s0 =	rddreg [dreg:$0x3]  }
0x95: {  	s0 =	sadd.s32 @!p0 $0x100000, s0  }
0x96: {  	[sflag:s0] =	ssyncadd.tile.s32 @!p0 $0x1;
	_ =	shalt  }
.Lfunc_end2:
_tile_overlayer_lowered:
.L_overlay_start_2:
0x97: {  	(tag) =	ssettag $0x2  }
0x98: {  	s0 =	rddreg [dreg:$0x0];
	s2 =	stileid.u32  }
0x99: {  	s1 =	rddreg [dreg:$0x1];
	p0 =	sne.s32 s2, $0x0  }
0x9a: {  	s3 =	rddreg [dreg:$0x2];
	[bflag:$0x3] =	sbarrier.arrive $0xFFFF;
	s2 =	simm.s32 @!p0 $0x1C05  }
0x9b: {  	[timem:s3], [sflag:s2] =	dma.local @!p0 [hbm:s0], s1  }
0x9c: {  	s0 =	simm.s32 @!p0 $0x5  }
0x9d: {  	_ =	swait.ge @!p0 [sflag:s0], s1  }
0x9e: {  	s1 =	ssub.s32 @!p0 $0x0, s1;
	[sflag:s0] =	ssyncset.done @!p0 $0x0  }
0x9f: {  	[sflag:s0] =	ssyncadd.s32 @!p0 s1  }
0xa0: {  	[bflag:$0x3] =	sbarrier.arrive $0xFFFF  }
0xa1: {  	_ =	shalt  }

</sc_bundles>
